<compile_context>
chip_gen: v7x
topology: tpu7x:2x2x1
jax: 0.10.2.dev20260603
libtpu: 0.0.44.dev20260713+nightly
codegen_flags: <defaults>
</compile_context>

<pallas_src>
import functools

import jax
import jax.numpy as jnp
from jax import lax
from jax.experimental import pallas as pl
from jax.experimental.pallas import tpu as pltpu
from jax.experimental.pallas import tpu_sc as plsc

H = 16
T = 961
N = 256
HH = 8
ROWS = 16
GROUPS = ROWS * N // 16

_mesh = plsc.VectorSubcoreMesh(core_axis_name="c", subcore_axis_name="s")


@functools.partial(
    pl.kernel,
    mesh=_mesh,
    out_type=jax.ShapeDtypeStruct((H, N, N), jnp.float32),
    scratch_types=[
        pltpu.VMEM((HH, T), jnp.float32),
        pltpu.VMEM((ROWS, N), jnp.int32),
        pltpu.VMEM((HH, ROWS, N), jnp.float32),
        pltpu.SemaphoreType.DMA,
        pltpu.SemaphoreType.DMA,
    ],
    compiler_params=pltpu.CompilerParams(
        needs_layout_passes=False,
        disable_bounds_checks=True,
        disable_semaphore_checks=True,
    ),
)
def _bias_kernel(tab_hbm, idx_hbm, out_hbm, tab_v, idx_v, out_v, sem_t, sem_i):
    wid = lax.axis_index("s") * 2 + lax.axis_index("c")
    h0 = (wid & 1) * HH
    row0 = (wid >> 1) * ROWS
    cp_t = pltpu.async_copy(tab_hbm.at[pl.ds(h0, HH), :], tab_v, sem_t)
    cp_i = pltpu.async_copy(idx_hbm.at[pl.ds(row0, ROWS), :], idx_v, sem_i)
    cp_t.wait()
    cp_i.wait()

    @plsc.parallel_loop(0, GROUPS, unroll=2)
    def body(g):
        r = g >> 4
        c = (g & 15) * 16
        iv = idx_v[r, pl.ds(c, 16)]
        for h in range(HH):
            hv = jnp.full((16,), h, dtype=jnp.int32)
            out_v[h, r, pl.ds(c, 16)] = plsc.load_gather(tab_v, [hv, iv])

    pltpu.sync_copy(out_v, out_hbm.at[pl.ds(h0, HH), pl.ds(row0, ROWS), :])


def kernel(table, index):
    tab_t = jnp.transpose(table)
    out = _bias_kernel(tab_t, index.astype(jnp.int32))
    return out.reshape(1, H, N, N)

# --- scband reference (transcript-rebuilt; emitter-appended) ---
"""Pipeline reference for scband-relative-position-bias-27582279974995 (READ-ONLY COPY).

The authoritative reference and input builder live on the scoring server;
editing this copy changes nothing except your own understanding.
"""

import jax, jax.numpy as jnp
import numpy as np

WS = 16
NUM_HEADS = 16

def _build_index(ws):
    coords = np.stack(np.meshgrid(np.arange(ws), np.arange(ws), indexing='ij'))  # [2, ws, ws]
    coords_flat = coords.reshape(2, -1)  # [2, ws*ws]
    rel = coords_flat[:, :, None] - coords_flat[:, None, :]  # [2, N, N]
    rel = rel.transpose(1, 2, 0).copy()  # [N, N, 2]
    rel[:, :, 0] += ws - 1
    rel[:, :, 1] += ws - 1
    rel[:, :, 0] *= 2 * ws - 1
    index = rel.sum(-1)  # [N, N]
    return index.astype(np.int64)

def setup_inputs(seed: int = 0) -> dict:
    key = jax.random.key(seed)
    table = jax.random.truncated_normal(key, -2.0, 2.0, ((2 * WS - 1) ** 2, NUM_HEADS), dtype=jnp.float32) * 0.02
    index = jnp.asarray(_build_index(WS))
    return {"table": table, "index": index}

def reference(table, index):
    # table: [(2*ws-1)**2, num_heads]; index: [ws*ws, ws*ws] int
    bias = jnp.take(table, index, axis=0)          # [N, N, H] gather (SparseCore-friendly)
    bias = jnp.transpose(bias, (2, 0, 1))          # [H, N, N]
    return bias[None, :, :, :]                      # [1, H, N, N]

if __name__ == "__main__":
    import jax
    _d = setup_inputs()
    print(jax.jit(kernel)(*tuple(_d.values())))

</pallas_src>

<mosaic_0001>
#map = affine_map<(d0, d1) -> (0, 0)>
#map1 = affine_map<(d0, d1) -> (0, 0, 0)>
module attributes {stable_mosaic.version = 14 : i64} {
  func.func @_bias_kernel(%arg0: i32, %arg1: i32, %arg2: memref<16x961xf32, #tpu.memory_space<hbm>>, %arg3: memref<256x256xi32, #tpu.memory_space<hbm>>, %arg4: memref<16x256x256xf32, #tpu.memory_space<hbm>>, %arg5: memref<8x961xf32, #tpu.memory_space<vmem>>, %arg6: memref<16x256xi32, #tpu.memory_space<vmem>>, %arg7: memref<8x16x256xf32, #tpu.memory_space<vmem>>, %arg8: memref<!tpu.dma_semaphore, #tpu.memory_space<semaphore_mem>>, %arg9: memref<!tpu.dma_semaphore, #tpu.memory_space<semaphore_mem>>) attributes {dimension_semantics = [#tpu.dimension_semantics<core_parallel>, #tpu.dimension_semantics<subcore_parallel>], iteration_bounds = array<i64: 2, 16>, scalar_prefetch = 0 : i64, scratch_operands = 5 : i64, tpu.core_type = #tpu.core_type<sc_vector_subcore>, window_params = [{transform_indices = #map}, {transform_indices = #map}, {transform_indices = #map1}]} {
    %mul3A = arith.constant 2 : i32
    %mul3A_0 = arith.muli %arg1, %mul3A : i32
    %add3A = arith.addi %mul3A_0, %arg0 : i32
    %and3A = arith.constant 1 : i32
    %and3A_1 = arith.andi %add3A, %and3A : i32
    %mul3A_2 = arith.constant 8 : i32
    %mul3A_3 = arith.muli %and3A_1, %mul3A_2 : i32
    %shift_right_arithmetic3A = arith.constant 1 : i32
    %shift_right_arithmetic3A_4 = arith.shrsi %add3A, %shift_right_arithmetic3A : i32
    %mul3A_5 = arith.constant 16 : i32
    %mul3A_6 = arith.muli %shift_right_arithmetic3A_4, %mul3A_5 : i32
    %dma_start3A = arith.constant 0 : i32
    %dma_start3A_7 = tpu.memref_slice %arg2[%mul3A_3, %dma_start3A] : memref<16x961xf32, #tpu.memory_space<hbm>> -> memref<8x961xf32, #tpu.memory_space<hbm>>
    %dma_start3A_8 = arith.constant 0 : i32
    %dma_start3A_9 = tpu.memref_slice %arg2[%mul3A_3, %dma_start3A_8] : memref<16x961xf32, #tpu.memory_space<hbm>> -> memref<8x961xf32, #tpu.memory_space<hbm>>
    tpu.enqueue_dma source(%dma_start3A_9 : memref<8x961xf32, #tpu.memory_space<hbm>>) target(%arg5 : memref<8x961xf32, #tpu.memory_space<vmem>>) target_semaphore(%arg8 : memref<!tpu.dma_semaphore, #tpu.memory_space<semaphore_mem>>)
    %dma_start3A_10 = arith.constant 0 : i32
    %dma_start3A_11 = tpu.memref_slice %arg3[%mul3A_6, %dma_start3A_10] : memref<256x256xi32, #tpu.memory_space<hbm>> -> memref<16x256xi32, #tpu.memory_space<hbm>>
    %dma_start3A_12 = arith.constant 0 : i32
    %dma_start3A_13 = tpu.memref_slice %arg3[%mul3A_6, %dma_start3A_12] : memref<256x256xi32, #tpu.memory_space<hbm>> -> memref<16x256xi32, #tpu.memory_space<hbm>>
    tpu.enqueue_dma source(%dma_start3A_13 : memref<16x256xi32, #tpu.memory_space<hbm>>) target(%arg6 : memref<16x256xi32, #tpu.memory_space<vmem>>) target_semaphore(%arg9 : memref<!tpu.dma_semaphore, #tpu.memory_space<semaphore_mem>>)
    %dma_wait3A = arith.constant 0 : i32
    %dma_wait3A_14 = tpu.memref_slice %arg2[%mul3A_3, %dma_wait3A] : memref<16x961xf32, #tpu.memory_space<hbm>> -> memref<8x961xf32, #tpu.memory_space<hbm>>
    %dma_wait3A_15 = arith.constant 0 : i32
    %dma_wait3A_16 = tpu.memref_slice %arg2[%mul3A_3, %dma_wait3A_15] : memref<16x961xf32, #tpu.memory_space<hbm>> -> memref<8x961xf32, #tpu.memory_space<hbm>>
    tpu.wait_dma2 semaphore(%arg8 : memref<!tpu.dma_semaphore, #tpu.memory_space<semaphore_mem>>) src(%dma_wait3A_16 : memref<8x961xf32, #tpu.memory_space<hbm>>) dst(%arg5 : memref<8x961xf32, #tpu.memory_space<vmem>>)
    %dma_wait3A_17 = arith.constant 0 : i32
    %dma_wait3A_18 = tpu.memref_slice %arg3[%mul3A_6, %dma_wait3A_17] : memref<256x256xi32, #tpu.memory_space<hbm>> -> memref<16x256xi32, #tpu.memory_space<hbm>>
    %dma_wait3A_19 = arith.constant 0 : i32
    %dma_wait3A_20 = tpu.memref_slice %arg3[%mul3A_6, %dma_wait3A_19] : memref<256x256xi32, #tpu.memory_space<hbm>> -> memref<16x256xi32, #tpu.memory_space<hbm>>
    tpu.wait_dma2 semaphore(%arg9 : memref<!tpu.dma_semaphore, #tpu.memory_space<semaphore_mem>>) src(%dma_wait3A_20 : memref<16x256xi32, #tpu.memory_space<hbm>>) dst(%arg6 : memref<16x256xi32, #tpu.memory_space<vmem>>)
    %parallel_loop3A = arith.constant 0 : i32
    %parallel_loop3A_21 = arith.constant 256 : i32
    %parallel_loop3A_22 = arith.constant 1 : i32
    scf.for %parallel_loop3A_23 = %parallel_loop3A to %parallel_loop3A_21 step %parallel_loop3A_22  : i32 {
      %parallel_loop3A_24 = arith.constant 4 : i32
      %parallel_loop3A_25 = arith.shrsi %parallel_loop3A_23, %parallel_loop3A_24 : i32
      %parallel_loop3A_26 = arith.constant 15 : i32
      %parallel_loop3A_27 = arith.andi %parallel_loop3A_23, %parallel_loop3A_26 : i32
      %parallel_loop3A_28 = arith.constant 16 : i32
      %parallel_loop3A_29 = arith.muli %parallel_loop3A_27, %parallel_loop3A_28 : i32
      %parallel_loop3A_30 = arith.index_cast %parallel_loop3A_25 : i32 to index
      %parallel_loop3A_31 = arith.index_cast %parallel_loop3A_29 : i32 to index
      %parallel_loop3A_32 = tpu.vector_load %arg6[%parallel_loop3A_30, %parallel_loop3A_31] {strides = array<i32>} : memref<16x256xi32, #tpu.memory_space<vmem>>, vector<16xi32>,
      %parallel_loop3A_33 = arith.constant 0 : i32
      %parallel_loop3A_34 = vector.broadcast %parallel_loop3A_33 : i32 to vector<16xi32>
      %parallel_loop3A_35 = tpu.vector_load_idx %arg5[%parallel_loop3A_34, %parallel_loop3A_32] : memref<8x961xf32, #tpu.memory_space<vmem>>[vector<16xi32>, vector<16xi32>], vector<16xf32>,
      %parallel_loop3A_36 = arith.constant 0 : i32
      %parallel_loop3A_37 = arith.index_cast %parallel_loop3A_36 : i32 to index
      %parallel_loop3A_38 = arith.index_cast %parallel_loop3A_25 : i32 to index
      %parallel_loop3A_39 = arith.index_cast %parallel_loop3A_29 : i32 to index
      %parallel_loop3A_40 = tpu.vector_load %arg7[%parallel_loop3A_37, %parallel_loop3A_38, %parallel_loop3A_39] {strides = array<i32>} : memref<8x16x256xf32, #tpu.memory_space<vmem>>, vector<16xf32>,
      tpu.vector_store %arg7[%parallel_loop3A_37, %parallel_loop3A_38, %parallel_loop3A_39], %parallel_loop3A_35 {strides = array<i32>} : memref<8x16x256xf32, #tpu.memory_space<vmem>>, vector<16xf32>,
      %parallel_loop3A_41 = arith.constant 1 : i32
      %parallel_loop3A_42 = vector.broadcast %parallel_loop3A_41 : i32 to vector<16xi32>
      %parallel_loop3A_43 = tpu.vector_load_idx %arg5[%parallel_loop3A_42, %parallel_loop3A_32] : memref<8x961xf32, #tpu.memory_space<vmem>>[vector<16xi32>, vector<16xi32>], vector<16xf32>,
      %parallel_loop3A_44 = arith.constant 1 : i32
      %parallel_loop3A_45 = arith.index_cast %parallel_loop3A_44 : i32 to index
      %parallel_loop3A_46 = arith.index_cast %parallel_loop3A_25 : i32 to index
      %parallel_loop3A_47 = arith.index_cast %parallel_loop3A_29 : i32 to index
      %parallel_loop3A_48 = tpu.vector_load %arg7[%parallel_loop3A_45, %parallel_loop3A_46, %parallel_loop3A_47] {strides = array<i32>} : memref<8x16x256xf32, #tpu.memory_space<vmem>>, vector<16xf32>,
      tpu.vector_store %arg7[%parallel_loop3A_45, %parallel_loop3A_46, %parallel_loop3A_47], %parallel_loop3A_43 {strides = array<i32>} : memref<8x16x256xf32, #tpu.memory_space<vmem>>, vector<16xf32>,
      %parallel_loop3A_49 = arith.constant 2 : i32
      %parallel_loop3A_50 = vector.broadcast %parallel_loop3A_49 : i32 to vector<16xi32>
      %parallel_loop3A_51 = tpu.vector_load_idx %arg5[%parallel_loop3A_50, %parallel_loop3A_32] : memref<8x961xf32, #tpu.memory_space<vmem>>[vector<16xi32>, vector<16xi32>], vector<16xf32>,
      %parallel_loop3A_52 = arith.constant 2 : i32
      %parallel_loop3A_53 = arith.index_cast %parallel_loop3A_52 : i32 to index
      %parallel_loop3A_54 = arith.index_cast %parallel_loop3A_25 : i32 to index
      %parallel_loop3A_55 = arith.index_cast %parallel_loop3A_29 : i32 to index
      %parallel_loop3A_56 = tpu.vector_load %arg7[%parallel_loop3A_53, %parallel_loop3A_54, %parallel_loop3A_55] {strides = array<i32>} : memref<8x16x256xf32, #tpu.memory_space<vmem>>, vector<16xf32>,
      tpu.vector_store %arg7[%parallel_loop3A_53, %parallel_loop3A_54, %parallel_loop3A_55], %parallel_loop3A_51 {strides = array<i32>} : memref<8x16x256xf32, #tpu.memory_space<vmem>>, vector<16xf32>,
      %parallel_loop3A_57 = arith.constant 3 : i32
      %parallel_loop3A_58 = vector.broadcast %parallel_loop3A_57 : i32 to vector<16xi32>
      %parallel_loop3A_59 = tpu.vector_load_idx %arg5[%parallel_loop3A_58, %parallel_loop3A_32] : memref<8x961xf32, #tpu.memory_space<vmem>>[vector<16xi32>, vector<16xi32>], vector<16xf32>,
      %parallel_loop3A_60 = arith.constant 3 : i32
      %parallel_loop3A_61 = arith.index_cast %parallel_loop3A_60 : i32 to index
      %parallel_loop3A_62 = arith.index_cast %parallel_loop3A_25 : i32 to index
      %parallel_loop3A_63 = arith.index_cast %parallel_loop3A_29 : i32 to index
      %parallel_loop3A_64 = tpu.vector_load %arg7[%parallel_loop3A_61, %parallel_loop3A_62, %parallel_loop3A_63] {strides = array<i32>} : memref<8x16x256xf32, #tpu.memory_space<vmem>>, vector<16xf32>,
      tpu.vector_store %arg7[%parallel_loop3A_61, %parallel_loop3A_62, %parallel_loop3A_63], %parallel_loop3A_59 {strides = array<i32>} : memref<8x16x256xf32, #tpu.memory_space<vmem>>, vector<16xf32>,
      %parallel_loop3A_65 = arith.constant 4 : i32
      %parallel_loop3A_66 = vector.broadcast %parallel_loop3A_65 : i32 to vector<16xi32>
      %parallel_loop3A_67 = tpu.vector_load_idx %arg5[%parallel_loop3A_66, %parallel_loop3A_32] : memref<8x961xf32, #tpu.memory_space<vmem>>[vector<16xi32>, vector<16xi32>], vector<16xf32>,
      %parallel_loop3A_68 = arith.constant 4 : i32
      %parallel_loop3A_69 = arith.index_cast %parallel_loop3A_68 : i32 to index
      %parallel_loop3A_70 = arith.index_cast %parallel_loop3A_25 : i32 to index
      %parallel_loop3A_71 = arith.index_cast %parallel_loop3A_29 : i32 to index
      %parallel_loop3A_72 = tpu.vector_load %arg7[%parallel_loop3A_69, %parallel_loop3A_70, %parallel_loop3A_71] {strides = array<i32>} : memref<8x16x256xf32, #tpu.memory_space<vmem>>, vector<16xf32>,
      tpu.vector_store %arg7[%parallel_loop3A_69, %parallel_loop3A_70, %parallel_loop3A_71], %parallel_loop3A_67 {strides = array<i32>} : memref<8x16x256xf32, #tpu.memory_space<vmem>>, vector<16xf32>,
      %parallel_loop3A_73 = arith.constant 5 : i32
      %parallel_loop3A_74 = vector.broadcast %parallel_loop3A_73 : i32 to vector<16xi32>
      %parallel_loop3A_75 = tpu.vector_load_idx %arg5[%parallel_loop3A_74, %parallel_loop3A_32] : memref<8x961xf32, #tpu.memory_space<vmem>>[vector<16xi32>, vector<16xi32>], vector<16xf32>,
      %parallel_loop3A_76 = arith.constant 5 : i32
      %parallel_loop3A_77 = arith.index_cast %parallel_loop3A_76 : i32 to index
      %parallel_loop3A_78 = arith.index_cast %parallel_loop3A_25 : i32 to index
      %parallel_loop3A_79 = arith.index_cast %parallel_loop3A_29 : i32 to index
      %parallel_loop3A_80 = tpu.vector_load %arg7[%parallel_loop3A_77, %parallel_loop3A_78, %parallel_loop3A_79] {strides = array<i32>} : memref<8x16x256xf32, #tpu.memory_space<vmem>>, vector<16xf32>,
      tpu.vector_store %arg7[%parallel_loop3A_77, %parallel_loop3A_78, %parallel_loop3A_79], %parallel_loop3A_75 {strides = array<i32>} : memref<8x16x256xf32, #tpu.memory_space<vmem>>, vector<16xf32>,
      %parallel_loop3A_81 = arith.constant 6 : i32
      %parallel_loop3A_82 = vector.broadcast %parallel_loop3A_81 : i32 to vector<16xi32>
      %parallel_loop3A_83 = tpu.vector_load_idx %arg5[%parallel_loop3A_82, %parallel_loop3A_32] : memref<8x961xf32, #tpu.memory_space<vmem>>[vector<16xi32>, vector<16xi32>], vector<16xf32>,
      %parallel_loop3A_84 = arith.constant 6 : i32
      %parallel_loop3A_85 = arith.index_cast %parallel_loop3A_84 : i32 to index
      %parallel_loop3A_86 = arith.index_cast %parallel_loop3A_25 : i32 to index
      %parallel_loop3A_87 = arith.index_cast %parallel_loop3A_29 : i32 to index
      %parallel_loop3A_88 = tpu.vector_load %arg7[%parallel_loop3A_85, %parallel_loop3A_86, %parallel_loop3A_87] {strides = array<i32>} : memref<8x16x256xf32, #tpu.memory_space<vmem>>, vector<16xf32>,
      tpu.vector_store %arg7[%parallel_loop3A_85, %parallel_loop3A_86, %parallel_loop3A_87], %parallel_loop3A_83 {strides = array<i32>} : memref<8x16x256xf32, #tpu.memory_space<vmem>>, vector<16xf32>,
      %parallel_loop3A_89 = arith.constant 7 : i32
      %parallel_loop3A_90 = vector.broadcast %parallel_loop3A_89 : i32 to vector<16xi32>
      %parallel_loop3A_91 = tpu.vector_load_idx %arg5[%parallel_loop3A_90, %parallel_loop3A_32] : memref<8x961xf32, #tpu.memory_space<vmem>>[vector<16xi32>, vector<16xi32>], vector<16xf32>,
      %parallel_loop3A_92 = arith.constant 7 : i32
      %parallel_loop3A_93 = arith.index_cast %parallel_loop3A_92 : i32 to index
      %parallel_loop3A_94 = arith.index_cast %parallel_loop3A_25 : i32 to index
      %parallel_loop3A_95 = arith.index_cast %parallel_loop3A_29 : i32 to index
      %parallel_loop3A_96 = tpu.vector_load %arg7[%parallel_loop3A_93, %parallel_loop3A_94, %parallel_loop3A_95] {strides = array<i32>} : memref<8x16x256xf32, #tpu.memory_space<vmem>>, vector<16xf32>,
      tpu.vector_store %arg7[%parallel_loop3A_93, %parallel_loop3A_94, %parallel_loop3A_95], %parallel_loop3A_91 {strides = array<i32>} : memref<8x16x256xf32, #tpu.memory_space<vmem>>, vector<16xf32>,
    } {sc.loop_unroll_factor = 2 : i64, sc.parallel_access}
    "tpu.region"() ({
      %run_scoped3A = tpu.sem_alloc : memref<!tpu.dma_semaphore, #tpu.memory_space<semaphore_mem>>
      %dma_start3A_23 = arith.constant 0 : i32
      %dma_start3A_24 = tpu.memref_slice %arg4[%mul3A_3, %mul3A_6, %dma_start3A_23] : memref<16x256x256xf32, #tpu.memory_space<hbm>> -> memref<8x16x256xf32, #tpu.memory_space<hbm>>
      %dma_start3A_25 = arith.constant 0 : i32
      %dma_start3A_26 = tpu.memref_slice %arg4[%mul3A_3, %mul3A_6, %dma_start3A_25] : memref<16x256x256xf32, #tpu.memory_space<hbm>> -> memref<8x16x256xf32, #tpu.memory_space<hbm>>
      tpu.enqueue_dma source(%arg7 : memref<8x16x256xf32, #tpu.memory_space<vmem>>) target(%dma_start3A_26 : memref<8x16x256xf32, #tpu.memory_space<hbm>>) target_semaphore(%run_scoped3A : memref<!tpu.dma_semaphore, #tpu.memory_space<semaphore_mem>>)
      %dma_wait3A_27 = arith.constant 0 : i32
      %dma_wait3A_28 = tpu.memref_slice %arg4[%mul3A_3, %mul3A_6, %dma_wait3A_27] : memref<16x256x256xf32, #tpu.memory_space<hbm>> -> memref<8x16x256xf32, #tpu.memory_space<hbm>>
      %dma_wait3A_29 = arith.constant 0 : i32
      %dma_wait3A_30 = tpu.memref_slice %arg4[%mul3A_3, %mul3A_6, %dma_wait3A_29] : memref<16x256x256xf32, #tpu.memory_space<hbm>> -> memref<8x16x256xf32, #tpu.memory_space<hbm>>
      tpu.wait_dma2 semaphore(%run_scoped3A : memref<!tpu.dma_semaphore, #tpu.memory_space<semaphore_mem>>) src(%arg7 : memref<8x16x256xf32, #tpu.memory_space<vmem>>) dst(%dma_wait3A_30 : memref<8x16x256xf32, #tpu.memory_space<hbm>>)
      tpu.yield
    }) : () -> ()
    return
  }
}

</mosaic_0001>

<sc_bundles>
// kernel: kernel.3.cloned.1.call-start
scs
__scs_entry_jumppad:
0x0: {  	(pc) =	sbr.rel $0x88, $3  }
0x1: {  	(tag) =	ssettag $0x0;
	lr =	simm.s32 $0x1  }
0x2: {  	[smem:$0x3F9F] =	sst lr;
	_ =	strace $0xD0000000  }
0x3: {  	_ = 	snop  }
0x4: {  	_ = 	snop  }
0x5: {  	_ = 	snop  }
0x6: {  	_ = 	snop  }
0x7: {  	_ = 	snop  }
__scs_overlays_trampoline_lowered:
0x8: {  	[smem:$0x3FAE] =	sst s0  }
0x9: {  	[smem:$0x3FAF] =	sst s1  }
0xa: {  	[smem:$0x3FB0] =	sst s2  }
0xb: {  	[smem:$0x3FB1] =	sst s3  }
0xc: {  	[smem:$0x3FB2] =	sst s4  }
0xd: {  	[smem:$0x3FB3] =	sst s5  }
0xe: {  	[smem:$0x3FB4] =	sst s6  }
0xf: {  	[smem:$0x3FB5] =	sst s7  }
0x10: {  	[smem:$0x3FB6] =	sst s8  }
0x11: {  	[smem:$0x3FB7] =	sst s9;
	s0 =	simm.s32 @!p0 $0x0  }
0x12: {  	s1 =	sld [smem:$0x3F9D];
	s0 =	simm.s32 @p0 $0x1  }
0x13: {  	[smem:$0x3FB8] =	sst s0;
	s0 =	simm.s32 @!p1 $0x0  }
0x14: {  	s2 =	sld [smem:$0x3F9C];
	s0 =	simm.s32 @p1 $0x1  }
0x15: {  	[smem:$0x3FB9] =	sst s0;
	s0 =	simm.s32 @!p2 $0x0  }
0x16: {  	s3 =	sld [smem:$0x3FDB];
	s0 =	simm.s32 @p2 $0x1  }
0x17: {  	s4 =	simm.s32 $0x1BF5;
	[smem:$0x3FBB] =	sst s0  }
0x18: {  	s0 =	sld [smem:$0x3F9E];
	_ =	swait.ge [sflag:s4], $0x0  }
0x19: {  	s7 =	sld [smem:$0x3F9F]  }
0x1a: {  	s8 =	sadd.s32 $0xFFFFE003, lr  }
0x1b: {  	s9 =	sadd.s32 $0xFFFFFEF7, lr;
	s5 =	simm.s32 $0xFFFFFFFF;
	p2 =	slt.u32 s8, $0xFFFFF086  }
0x1c: {  	p1 =	slt.u32 s9, $0xF7A;
	s5 =	simm.s32 @!p2 $0x0  }
0x1d: {  	s5 =	simm.s32 @p1 $0x1;
	p0 =	seq.s32 s7, s2  }
0x1e: {  	s7 =	smul.u32 @!p0 $0xF7A, s2;
	p2 =	seq.s32 @!p0 s5, $0x0  }
0x1f: {  	s9 =	smul.u32 $0xF7A, s1;
	s8 =	simm.s32 @!p0 $0x1BF5;
	p2 =	por !p2, p0  }
0x20: {  	[sflag:s8] =	ssyncset.s32 @!p0 $0xFFFFF086;
	s6 =	sadd.s32 @!p0 s3, s7;
	s7 =	simm.s32 @!p0 $0x108  }
0x21: {  	s3 =	sadd.s32 s3, s9;
	s6 =	sadd.s32 @!p0 $0x88, s6;
	s7 =	simm.s32 @p2 $0x1082  }
0x22: {  	[simem:s7], [sflag:s8] =	dma.local @!p0 [hbm:s6], $0xF7A  }
0x23: {  	s9 =	sor.u32 $0xD0000000, s2;
	s6 =	simm.s32 $0x108;
	_ =	swait.ge @!p0 [sflag:s8], $0x0  }
0x24: {  	s3 =	sadd.s32 $0x88, s3;
	s6 =	simm.s32 @!p1 $0x1082;
	[sflag:s4] =	ssyncset.s32 $0xFFFFF086  }
0x25: {  	[simem:s6], [sflag:s4] =	dma.local [hbm:s3], $0xF7A  }
0x26: {  	[smem:$0x3F9F] =	sst s1;
	(tag) =	ssettag s2;
	_ =	strace s9  }
0x27: {  	s1 =	sld [smem:$0x3FAF]  }
0x28: {  	s2 =	sld [smem:$0x3FB0]  }
0x29: {  	s4 =	sld [smem:$0x3FB2]  }
0x2a: {  	p0 =	seq.s32 s5, $0x0;
	s5 =	sld [smem:$0x3FB3]  }
0x2b: {  	s6 =	sld [smem:$0x3FB4]  }
0x2c: {  	s7 =	sld [smem:$0x3FB5]  }
0x2d: {  	s3 =	simm.s32 $0x108;
	s8 =	sld [smem:$0x3FB6]  }
0x2e: {  	s3 =	simm.s32 @!p0 $0x1082;
	s9 =	sld [smem:$0x3FB7]  }
0x2f: {  	lr =	sadd.s32 s0, s3;
	s0 =	sld [smem:$0x3FAE]  }
0x30: {  	s3 =	sld [smem:$0x3FB1]  }
0x31: {  	[smem:$0x3FBA] =	sst s10  }
0x32: {  	s10 =	sld [smem:$0x3FB8];
	_ =	sdelay $0x3  }
0x33: {  	p0 =	seq.s32 s10, $0x1;
	s10 =	sld [smem:$0x3FBA];
	_ =	sdelay $0x3  }
0x34: {  	[smem:$0x3FBA] =	sst s10  }
0x35: {  	s10 =	sld [smem:$0x3FB9];
	_ =	sdelay $0x3  }
0x36: {  	p1 =	seq.s32 s10, $0x1;
	s10 =	sld [smem:$0x3FBA];
	_ =	sdelay $0x3  }
0x37: {  	[smem:$0x3FBA] =	sst s10  }
0x38: {  	s10 =	sld [smem:$0x3FBB]  }
0x39: {  	_ = 	snop;
	(pc) =	sbr.ind lr, $3  }
0x3a: {  	_ = 	snop  }
0x3b: {  	_ = 	snop  }
0x3c: {  	p2 =	seq.s32 s10, $0x1;
	s10 =	sld [smem:$0x3FBA]  }
0x3d: {  	_ =	shalt  }
0x3e: {  	_ =	shalt  }
0x3f: {  	_ =	shalt  }
0x40: {  	_ =	shalt  }
0x41: {  	_ =	shalt  }
0x42: {  	_ =	shalt  }
0x43: {  	_ =	shalt  }
0x44: {  	_ =	shalt  }
0x45: {  	_ =	shalt  }
0x46: {  	_ =	shalt  }
0x47: {  	_ =	shalt  }
0x48: {  	_ =	shalt  }
0x49: {  	_ =	shalt  }
0x4a: {  	_ =	shalt  }
0x4b: {  	_ =	shalt  }
0x4c: {  	_ =	shalt  }
0x4d: {  	_ =	shalt  }
0x4e: {  	_ =	shalt  }
0x4f: {  	_ =	shalt  }
0x50: {  	_ =	shalt  }
0x51: {  	_ =	shalt  }
0x52: {  	_ =	shalt  }
0x53: {  	_ =	shalt  }
0x54: {  	_ =	shalt  }
0x55: {  	_ =	shalt  }
0x56: {  	_ =	shalt  }
0x57: {  	_ =	shalt  }
0x58: {  	_ =	shalt  }
0x59: {  	_ =	shalt  }
0x5a: {  	_ =	shalt  }
0x5b: {  	_ =	shalt  }
0x5c: {  	_ =	shalt  }
0x5d: {  	_ =	shalt  }
0x5e: {  	_ =	shalt  }
0x5f: {  	_ =	shalt  }
0x60: {  	_ =	shalt  }
0x61: {  	_ =	shalt  }
0x62: {  	_ =	shalt  }
0x63: {  	_ =	shalt  }
0x64: {  	_ =	shalt  }
0x65: {  	_ =	shalt  }
0x66: {  	_ =	shalt  }
0x67: {  	_ =	shalt  }
0x68: {  	_ =	shalt  }
0x69: {  	_ =	shalt  }
0x6a: {  	_ =	shalt  }
0x6b: {  	_ =	shalt  }
0x6c: {  	_ =	shalt  }
0x6d: {  	_ =	shalt  }
0x6e: {  	_ =	shalt  }
0x6f: {  	_ =	shalt  }
0x70: {  	_ =	shalt  }
0x71: {  	_ =	shalt  }
0x72: {  	_ =	shalt  }
0x73: {  	_ =	shalt  }
0x74: {  	_ =	shalt  }
0x75: {  	_ =	shalt  }
0x76: {  	_ =	shalt  }
0x77: {  	_ =	shalt  }
0x78: {  	_ =	shalt  }
0x79: {  	_ =	shalt  }
0x7a: {  	_ =	shalt  }
0x7b: {  	_ =	shalt  }
0x7c: {  	_ =	shalt  }
0x7d: {  	_ =	shalt  }
0x7e: {  	_ =	shalt  }
0x7f: {  	_ =	shalt  }
0x80: {  	_ =	shalt  }
0x81: {  	_ =	shalt  }
0x82: {  	_ =	shalt  }
0x83: {  	_ =	shalt  }
0x84: {  	_ =	shalt  }
0x85: {  	_ =	shalt  }
0x86: {  	_ =	shalt  }
0x87: {  	_ =	shalt  }
.Lfunc_end0:
.L_simem_size_0:
called_computation_lowered:
.L_overlay_start_0:
0x88: {  	s2 =	sld [smem:$0x3FD9]  }
0x89: {  	s3 =	sld [smem:$0x3FFE];
	_ =	sdelay $0x1  }
0x8a: {  	s1 =	srdreg.scid  }
0x8b: {  	s0 =	sand.u32 $0x1, s1  }
0x8c: {  	s18 =	sshll.u32 s0, $0xA;
	s2 =	sadd.s32 s3, s2  }
0x8d: {  	s2 =	sadd.s32 s2, s18  }
0x8e: {  	[smem:$0x3FC6] =	sst s2  }
0x8f: {  	_ = 	snop  }
0x90: {  	s2 =	sld [smem:$0x3FC9]  }
0x91: {  	s19 =	sld [smem:$0x3FC8]  }
0x92: {  	s4 =	sld [smem:$0x3FD0];
	(tm) =	ssettm $0x1  }
0x93: {  	s5 =	sld [smem:$0x3FFB];
	_ =	sdelay $0x3  }
0x94: {  	_ =	strace s5  }
0x95: {  	s5 =	sld [smem:$0x3FFC];
	_ =	sdelay $0x3  }
0x96: {  	_ =	strace s5  }
0x97: {  	s5 =	sld [smem:$0x3FFD];
	_ =	sdelay $0x3  }
0x98: {  	_ =	strace s5  }
0x99: {  	_ =	strace $0x8FFFFFFF  }
0x9a: {  	s20 =	sld [smem:$0x3FDB];
	_ =	sdelay $0x1  }
0x9b: {  	s6 =	simm.s32 $_scs_section_size  }
0x9c: {  	s7 =	simm.s32 $_size__tile_overlayer_lowered;
	s8 =	simm.s32 $_tile_overlayer_lowered  }
0x9d: {  	s23 =	simm.s32 $0x1BFF;
	s22 =	sshll.u32 s8, $0x1;
	s5 =	sadd.s32 s6, s20  }
0x9e: {  	s9 =	simm.s32 $0x0;
	s21 =	sshll.u32 s7, $0x1;
	s7 =	sadd.s32 s22, s5  }
0x9f: {  	[timem:s9], [sflag:s23] =	dma.local [hbm:s7], s21  }
0xa0: {  	_ =	swait.ge [sflag:s23], s21  }
0xa1: {  	s6 =	ssub.s32 $0x0, s21;
	[sflag:s23] =	ssyncset.done $0x0  }
0xa2: {  	[sflag:s23] =	ssyncadd.s32 s6;
	_ =	sdelay $0x1  }
0xa3: {  	s24 =	simm.s32 $0x1B8B  }
0xa4: {  	_ =	swait.ge [sflag:s24], $0x1  }
0xa5: {  	[sflag:s24] =	ssyncset.done $0x0  }
0xa6: {  	s25 =	simm.s32 $0x1B8E;
	[sflag:s24] =	ssyncadd.s32 $0xFFFFFFFF  }
0xa7: {  	s26 =	simm.s32 $execute0_lowered;
	[smem:$0x3FD2] =	sst s25  }
0xa8: {  	s6 =	sshll.u32 s26, $0x1;
	_ =	strace $0x80000046;
	[dreg:$0x1] =	wrdreg $0xFFFFFFFF  }
0xa9: {  	s28 =	simm.s32 $_size_execute0_lowered;
	s5 =	sadd.s32 s5, s6;
	[dreg:$0x0] =	wrdreg $0x0  }
0xaa: {  	s6 =	sshll.u32 s28, $0x1;
	[dreg:$0x2] =	wrdreg s5  }
0xab: {  	[dreg:$0x3] =	wrdreg s6  }
0xac: {  	[dreg:$0x4] =	wrdreg $0xC0  }
0xad: {  	_ =	task [dreg:s9], $0x5FFFF  }
0xae: {  	[dreg:$0x1] =	wrdreg $0xFFFFFFFF  }
0xaf: {  	[dreg:$0x0] =	wrdreg $0x60  }
0xb0: {  	[dreg:$0x2] =	wrdreg s2  }
0xb1: {  	[dreg:$0x3] =	wrdreg s19  }
0xb2: {  	[dreg:$0x4] =	wrdreg s4  }
0xb3: {  	[dreg:$0x5] =	wrdreg $0x9  }
0xb4: {  	_ =	task.clear_ibuf [dreg:s9], $0x6FFFF;
	_ =	strace $0x90000046  }
0xb5: {  	s29 =	simm.s32 $0x9;
	_ =	strace $0x80000048  }
0xb6: {  	_ =	swait.ge [sflag:s29], $0x1  }
0xb7: {  	[sflag:s29] =	ssyncadd.s32 $0xFFFFFFFF  }
0xb8: {  	_ =	strace $0x90000048  }
0xb9: {  	_ =	sfence  }
0xba: {  	s30 =	sld [smem:$0x0];
	_ =	sdelay $0x2  }
0xbb: {  	s31 =	sshll.u32 s1, $0xD;
	s1 =	sshrl.u32 s1, $0x2  }
0xbc: {  	s3 =	sand.u32 $0x4000, s31;
	s1 =	sadd.s32 s1, s30  }
0xbd: {  	s0 =	sor.u32 s3, s0;
	s1 =	sshll.u32 s1, $0x11  }
0xbe: {  	s0 =	sor.u32 s1, s0  }
0xbf: {  	s0 =	sadd.s32 $0x8F2B, s0  }
0xc0: {  	[sflag:s0] =	ssyncadd.remote.s32 $0x1  }
0xc1: {  	_ =	sfence.sel $0xFFFF  }
0xc2: {  	[dreg:$0x0] =	wrdreg $0xFFFFFFFF;
	(pc) =	sbr.abs _section_cstart, $3  }
0xc3: {  	[dreg:$0x1] =	wrdreg $0xFFFFFFFF  }
0xc4: {  	_ =	task.clear_ibuf [dreg:s9], $0x2FFFF;
	_ =	strace $0x9FFFFFFF  }
0xc5: {  	(tm) =	ssettm $0x7FFFFFFF  }
tec
execute0_lowered:
.L_overlay_start_1:
0x0: {  	(tag) =	ssettag $0x1  }
0x1: {  	s0 =	rddreg [dreg:$0x0]  }
0x2: {  	s1 =	rddreg [dreg:$0x1]  }
0x3: {  	s2 =	srdreg.scid;
	s3 =	rddreg [dreg:$0x2]  }
0x4: {  	s7 =	stileid.u32;
	s8 =	simm.s32 $0x1;
	s4 =	sand.u32 $0x1, s2  }
0x5: {  	s2 =	simm.s32 $0x0;
	s26 =	sshll.u32 s7, $0x9;
	s5 =	ssub.s32 $0x2, s4  }
0x6: {  	[smem:$0x7FF] =	sst s2;
	s28 =	sshll.u32 s4, $0x10;
	s4 =	sshll.u32 s4, $0xA  }
0x7: {  	s3 =	sadd.s32 s3, s26;
	s29 =	sadd.s32 s1, s26;
	s6 =	sshrl.u32 s5, $0x1  }
0x8: {  	_ =	strace $0x80000047;
	s0 =	sadd.s32 s0, s4;
	[dreg:$0x5] =	wrdreg s29  }
0x9: {  	s30 =	sadd.s32 s28, s3;
	s5 =	ssub.s32 s5, s6;
	[dreg:$0x4] =	wrdreg s0  }
0xa: {  	s9 =	simm.s32 $0x2;
	[dreg:$0x6] =	wrdreg s30;
	s31 =	smax.u32 s5, $0x1  }
0xb: {  	s13 =	simm.s32 $0x3;
	s14 =	simm.s32 $0x0;
	[dreg:$0x7] =	wrdreg s31  }
.LBB2_1:
0xc: {  	s0 =	rddreg [dreg:$0x4]  }
0xd: {  	[tilespmem:s2], [sflag:$0x1] =	stream.linear.gather [hbm4b:s0+s2], $0x2000, $0x38;
	[tilespmem:$0xB000] =	vst v63  }
0xe: {  	s12 =	rddreg [dreg:$0x5];
	s1 =	simm.s32 $0x2000  }
0xf: {  	[tilespmem:s1], [sflag:$0x2] =	stream.linear.gather [hbm4b:s12+s2], $0x1000, $0x38;
	[tilespmem:$0xB000] =	vst v63  }
0x10: {  	s15 =	simm.s32 $0x0;
	_ =	swait.ge [sflag:s8], $0x2000  }
0x11: {  	s16 =	sand.u32 $0x400, s2;
	s3 =	simm.s32 $0x0;
	[sflag:s8] =	ssyncset.done $0x0  }
0x12: {  	s28 =	sand.u32 $0x60, s2;
	s0 =	sand.u32 $0x800, s15;
	[sflag:s8] =	ssyncadd.s32 $0xFFFFE000  }
0x13: {  	s17 =	sand.u32 $0x380, s3;
	s0 =	sor.u32 s16, s0;
	_ =	swait.ge [sflag:s9], $0x1000  }
0x14: {  	s29 =	sor.u32 $0x10, s28;
	s30 =	sor.u32 s17, s0;
	[sflag:s9] =	ssyncset.done $0x0  }
0x15: {  	s0 =	sor.u32 s29, s30;
	[sflag:s9] =	ssyncadd.s32 $0xFFFFF000  }
0x16: {  	v0 =	vld [tilespmem:s0+$0x2000];
	_ =	sdelay $0x4  }
0x17: {  	v1 =	vshll.u32 v0, $0x3  }
0x18: {  	v0 =	vand.u32 $0x7F, v0;
	v1 =	vand.u32 $0xFFFFFC00, v1  }
0x19: {  	s1 =	sor.u32 s28, s30;
	v1 =	vor.u32 v0, v1  }
0x1a: {  	v0 =	vld [tilespmem:s1+$0x2000];
	_ =	sdelay $0x2  }
0x1b: {  	s18 =	simm.s32 $0x100;
	s4 =	simm.s32 $0x20;
	s5 =	simm.s32 $0x20  }
0x1c: {  	s7 =	simm.s32 $0x10;
	s3 =	sand.u32 $0x400, s18;
	s5 =	sand.u32 $0x800, s5;
	v3 =	vld.idx.msk [tilespmem:v1+s2+$0x0], $0xffff  }
0x1d: {  	s15 =	sand.u32 $0x60, s4;
	s19 =	sand.u32 $0x380, s7;
	s3 =	sor.u32 s3, s5;
	v4 =	vor.u32 $0x80, v1;
	v2 =	vshll.u32 v0, $0x3  }
0x1e: {  	s24 =	sor.u32 $0x10, s15;
	s23 =	sor.u32 s19, s3;
	v0 =	vand.u32 $0x7F, v0;
	v2 =	vand.u32 $0xFFFFFC00, v2  }
0x1f: {  	s4 =	sor.u32 s24, s23;
	v2 =	vor.u32 v0, v2  }
0x20: {  	s20 =	sor.u32 s15, s23;
	v0 =	vld [tilespmem:s4+$0x2000]  }
0x21: {  	[tilespmem:s0+$0x3000] =	vst v3;
	v3 =	vld [tilespmem:s20+$0x2000]  }
0x22: {  	v4 =	vld.idx.msk [tilespmem:v4+s2+$0x0], $0xffff  }
0x23: {  	v5 =	vor.u32 $0x100, v1  }
0x24: {  	v6 =	vld.idx.msk [tilespmem:v2+s2+$0x0], $0xffff  }
0x25: {  	s21 =	sor.u32 $0x4000, s30;
	v7 =	vor.u32 $0x80, v2;
	v8 =	vshll.u32 v0, $0x3  }
0x26: {  	s22 =	sor.u32 s29, s21;
	v0 =	vand.u32 $0x7F, v0;
	v8 =	vand.u32 $0xFFFFFC00, v8;
	v9 =	vshll.u32 v3, $0x3  }
0x27: {  	v10 =	vand.u32 $0x7F, v3;
	v3 =	vor.u32 v0, v8;
	[tilespmem:s22+$0x0] =	vst v4;
	v0 =	vand.u32 $0xFFFFFC00, v9  }
0x28: {  	v5 =	vld.idx.msk [tilespmem:v5+s2+$0x0], $0xffff;
	v4 =	vor.u32 v10, v0  }
0x29: {  	s25 =	simm.s32 $0x200;
	s6 =	simm.s32 $0x40;
	[tilespmem:s1+$0x3000] =	vst v6;
	v0 =	vor.u32 $0x180, v1  }
0x2a: {  	s26 =	simm.s32 $0x40;
	s11 =	simm.s32 $0x20;
	s7 =	sand.u32 $0x800, s6;
	v6 =	vld.idx.msk [tilespmem:v7+s2+$0x0], $0xffff  }
0x2b: {  	s11 =	sand.u32 $0x380, s11;
	s10 =	sor.u32 $0x5000, s30;
	s1 =	sand.u32 $0x400, s25;
	v7 =	vor.u32 $0x100, v2  }
0x2c: {  	s16 =	sand.u32 $0x60, s26;
	s12 =	sor.u32 s29, s10;
	s1 =	sor.u32 s1, s7;
	v8 =	vld.idx.msk [tilespmem:v3+s2+$0x0], $0xffff  }
0x2d: {  	s17 =	sor.u32 $0x10, s16;
	v10 =	vor.u32 $0x80, v3;
	s18 =	sor.u32 s11, s1;
	v9 =	vld.idx.msk [tilespmem:v4+s2+$0x0], $0xffff;
	[tilespmem:s12+$0x0] =	vst v5  }
0x2e: {  	s0 =	sor.u32 s28, s21;
	s1 =	sor.u32 s17, s18;
	v5 =	vor.u32 $0x80, v4;
	v0 =	vld.idx.msk [tilespmem:v0+s2+$0x0], $0xffff  }
0x2f: {  	v11 =	vor.u32 $0x200, v1;
	[tilespmem:s0+$0x0] =	vst v6;
	v6 =	vld [tilespmem:s1+$0x2000]  }
0x30: {  	s3 =	sor.u32 s16, s18;
	v7 =	vld.idx.msk [tilespmem:v7+s2+$0x0], $0xffff  }
0x31: {  	v12 =	vor.u32 $0x180, v2;
	s12 =	sor.u32 $0x6000, s30;
	[tilespmem:s4+$0x3000] =	vst v8;
	v8 =	vld [tilespmem:s3+$0x2000]  }
0x32: {  	s19 =	sor.u32 s29, s12;
	v10 =	vld.idx.msk [tilespmem:v10+s2+$0x0], $0xffff;
	[tilespmem:s20+$0x3000] =	vst v9  }
0x33: {  	v9 =	vor.u32 $0x100, v3;
	v5 =	vld.idx.msk [tilespmem:v5+s2+$0x0], $0xffff;
	[tilespmem:s19+$0x0] =	vst v0  }
0x34: {  	v13 =	vor.u32 $0x100, v4;
	s20 =	sor.u32 s28, s10;
	v0 =	vshll.u32 v6, $0x3;
	v11 =	vld.idx.msk [tilespmem:v11+s2+$0x0], $0xffff  }
0x35: {  	s21 =	sor.u32 $0x4000, s23;
	v6 =	vand.u32 $0x7F, v6;
	[tilespmem:s20+$0x0] =	vst v7;
	v0 =	vand.u32 $0xFFFFFC00, v0;
	v7 =	vor.u32 $0x280, v1  }
0x36: {  	s22 =	sor.u32 s24, s21;
	v12 =	vld.idx.msk [tilespmem:v12+s2+$0x0], $0xffff;
	v14 =	vshll.u32 v8, $0x3;
	v0 =	vor.u32 v6, v0  }
0x37: {  	s5 =	sor.u32 $0x7000, s30;
	v15 =	vor.u32 $0x200, v2;
	s4 =	sor.u32 s15, s21;
	v6 =	vand.u32 $0x7F, v8;
	[tilespmem:s22+$0x0] =	vst v10;
	v8 =	vand.u32 $0xFFFFFC00, v14  }
0x38: {  	s25 =	sor.u32 s29, s5;
	v9 =	vld.idx.msk [tilespmem:v9+s2+$0x0], $0xffff;
	v6 =	vor.u32 v6, v8;
	[tilespmem:s4+$0x0] =	vst v5  }
0x39: {  	s6 =	simm.s32 $0x60;
	s26 =	simm.s32 $0x300;
	s11 =	sor.u32 $0x5000, s23;
	v8 =	vor.u32 $0x180, v3;
	v5 =	vld.idx.msk [tilespmem:v13+s2+$0x0], $0xffff;
	[tilespmem:s25+$0x0] =	vst v11  }
0x3a: {  	s0 =	sor.u32 s28, s12;
	s12 =	sand.u32 $0x400, s26;
	s20 =	simm.s32 $0x60;
	v7 =	vld.idx.msk [tilespmem:v7+s2+$0x0], $0xffff  }
0x3b: {  	s19 =	sand.u32 $0x60, s6;
	s21 =	sand.u32 $0x800, s20;
	s22 =	simm.s32 $0x30;
	[tilespmem:s0+$0x0] =	vst v12;
	v10 =	vld.idx.msk [tilespmem:v0+s2+$0x0], $0xffff  }
0x3c: {  	s26 =	sand.u32 $0x380, s22;
	s25 =	sor.u32 s24, s11;
	v11 =	vor.u32 $0x300, v1;
	s0 =	sor.u32 s12, s21;
	v12 =	vld.idx.msk [tilespmem:v15+s2+$0x0], $0xffff  }
0x3d: {  	v14 =	vor.u32 $0x80, v0;
	s4 =	sor.u32 $0x8000, s30;
	s21 =	sor.u32 $0x10, s19;
	s20 =	sor.u32 s26, s0;
	v13 =	vld.idx.msk [tilespmem:v6+s2+$0x0], $0xffff;
	[tilespmem:s25+$0x0] =	vst v9  }
0x3e: {  	s6 =	sor.u32 s29, s4;
	v9 =	vor.u32 $0x80, v6;
	s0 =	sor.u32 s21, s20;
	v8 =	vld.idx.msk [tilespmem:v8+s2+$0x0], $0xffff  }
0x3f: {  	v16 =	vor.u32 $0x200, v3;
	s10 =	sor.u32 s19, s20;
	v15 =	vld [tilespmem:s0+$0x2000];
	[tilespmem:s6+$0x0] =	vst v7  }
0x40: {  	v17 =	vor.u32 $0x280, v2;
	s11 =	sor.u32 s15, s11;
	[tilespmem:s1+$0x3000] =	vst v10;
	v10 =	vld [tilespmem:s10+$0x2000]  }
0x41: {  	[tilespmem:s11+$0x0] =	vst v5;
	v7 =	vor.u32 $0x180, v4;
	s1 =	sor.u32 $0x6000, s23;
	v11 =	vld.idx.msk [tilespmem:v11+s2+$0x0], $0xffff  }
0x42: {  	v14 =	vld.idx.msk [tilespmem:v14+s2+$0x0], $0xffff;
	s7 =	sor.u32 s24, s1;
	[tilespmem:s3+$0x3000] =	vst v13;
	v13 =	vor.u32 $0x380, v1  }
0x43: {  	v18 =	vor.u32 $0x100, v0;
	s12 =	sor.u32 s28, s5;
	v9 =	vld.idx.msk [tilespmem:v9+s2+$0x0], $0xffff;
	[tilespmem:s7+$0x0] =	vst v8  }
0x44: {  	[tilespmem:s12+$0x0] =	vst v12;
	v8 =	vor.u32 $0x100, v6;
	s7 =	sor.u32 $0x9000, s30;
	v1 =	vshll.u32 v15, $0x3;
	v5 =	vld.idx.msk [tilespmem:v16+s2+$0x0], $0xffff  }
0x45: {  	s22 =	sor.u32 $0x4000, s18;
	v12 =	vand.u32 $0x7F, v15;
	v15 =	vor.u32 $0x280, v3;
	s25 =	sor.u32 s29, s7;
	v1 =	vand.u32 $0xFFFFFC00, v1;
	v16 =	vld.idx.msk [tilespmem:v17+s2+$0x0], $0xffff  }
0x46: {  	s26 =	sor.u32 s17, s22;
	v7 =	vld.idx.msk [tilespmem:v7+s2+$0x0], $0xffff;
	v1 =	vor.u32 v12, v1;
	[tilespmem:s25+$0x0] =	vst v11;
	v11 =	vshll.u32 v10, $0x3  }
0x47: {  	s6 =	sor.u32 s16, s22;
	s3 =	sor.u32 $0x7000, s23;
	v12 =	vor.u32 $0x200, v4;
	v10 =	vand.u32 $0x7F, v10;
	[tilespmem:s26+$0x0] =	vst v14;
	v13 =	vld.idx.msk [tilespmem:v13+s2+$0x0], $0xffff;
	v11 =	vand.u32 $0xFFFFFC00, v11  }
0x48: {  	s11 =	sor.u32 s24, s3;
	v14 =	vld.idx.msk [tilespmem:v18+s2+$0x0], $0xffff;
	v17 =	vor.u32 v10, v11;
	[tilespmem:s6+$0x0] =	vst v9  }
0x49: {  	s4 =	sor.u32 s28, s4;
	s22 =	simm.s32 $0x80;
	s12 =	simm.s32 $0x400;
	v9 =	vor.u32 $0x180, v0;
	v8 =	vld.idx.msk [tilespmem:v8+s2+$0x0], $0xffff;
	[tilespmem:s11+$0x0] =	vst v5  }
0x4a: {  	s1 =	sor.u32 s15, s1;
	s22 =	sand.u32 $0x60, s22;
	s5 =	sand.u32 $0x400, s12;
	v5 =	vor.u32 $0x300, v2;
	v10 =	vld.idx.msk [tilespmem:v15+s2+$0x0], $0xffff  }
0x4b: {  	s12 =	sor.u32 $0x5000, s18;
	s26 =	simm.s32 $0x80;
	s25 =	simm.s32 $0x40;
	[tilespmem:s1+$0x0] =	vst v7;
	v7 =	vld.idx.msk [tilespmem:v1+s2+$0x0], $0xffff  }
0x4c: {  	v11 =	vor.u32 $0x300, v3;
	s6 =	sand.u32 $0x380, s25;
	s1 =	sand.u32 $0x800, s26;
	s26 =	sor.u32 s17, s12;
	v12 =	vld.idx.msk [tilespmem:v12+s2+$0x0], $0xffff  }
0x4d: {  	v18 =	vor.u32 $0x80, v1;
	s25 =	sor.u32 $0x10, s22;
	s1 =	sor.u32 s5, s1;
	s5 =	sor.u32 $0xA000, s30;
	[tilespmem:s26+$0x0] =	vst v14;
	v15 =	vld.idx.msk [tilespmem:v17+s2+$0x0], $0xffff  }
0x4e: {  	[tilespmem:s4+$0x0] =	vst v16;
	s4 =	sor.u32 $0x8000, s23;
	s26 =	sor.u32 s6, s1;
	s6 =	sor.u32 s29, s5;
	v14 =	vld.idx.msk [tilespmem:v9+s2+$0x0], $0xffff  }
0x4f: {  	v16 =	vor.u32 $0x80, v17;
	s11 =	sor.u32 s24, s4;
	s1 =	sor.u32 s25, s26;
	[tilespmem:s6+$0x0] =	vst v13;
	v20 =	vld.idx.msk [tilespmem:v5+s2+$0x0], $0xffff  }
0x50: {  	v21 =	vor.u32 $0x180, v6;
	v19 =	vld [tilespmem:s1+$0x2000];
	[tilespmem:s11+$0x0] =	vst v10  }
0x51: {  	v24 =	vor.u32 $0x380, v2;
	v23 =	vor.u32 $0x280, v4;
	s12 =	sor.u32 s16, s12;
	v10 =	vor.u32 $0x200, v0;
	[tilespmem:s0+$0x3000] =	vst v7;
	v22 =	vld.idx.msk [tilespmem:v11+s2+$0x0], $0xffff  }
0x52: {  	v27 =	vor.u32 $0x100, v1;
	v2 =	vor.u32 $0x380, v4;
	v29 =	vor.u32 $0x100, v17;
	[tilespmem:s12+$0x0] =	vst v8;
	s0 =	sor.u32 s22, s26;
	v18 =	vld.idx.msk [tilespmem:v18+s2+$0x0], $0xffff  }
0x53: {  	s3 =	sor.u32 s15, s3;
	v9 =	vor.u32 $0x300, v4;
	v13 =	vor.u32 $0x180, v17;
	v4 =	vor.u32 $0x380, v17;
	s11 =	sor.u32 $0x6000, s18;
	v25 =	vld [tilespmem:s0+$0x2000];
	[tilespmem:s10+$0x3000] =	vst v15  }
0x54: {  	v5 =	vor.u32 $0x300, v6;
	v8 =	vor.u32 $0x280, v17;
	s6 =	sor.u32 s17, s11;
	[tilespmem:s3+$0x0] =	vst v12;
	v15 =	vor.u32 $0x380, v3;
	v26 =	vld.idx.msk [tilespmem:v16+s2+$0x0], $0xffff  }
0x55: {  	s30 =	sor.u32 s28, s7;
	v7 =	vor.u32 $0x280, v6;
	v11 =	vor.u32 $0x200, v6;
	[tilespmem:s6+$0x0] =	vst v14;
	v3 =	vor.u32 $0x380, v6;
	s10 =	sor.u32 $0x9000, s23;
	v16 =	vld.idx.msk [tilespmem:v21+s2+$0x0], $0xffff  }
0x56: {  	s3 =	sor.u32 $0x4000, s20;
	v6 =	vor.u32 $0x300, v17;
	s6 =	sor.u32 s24, s10;
	v12 =	vshll.u32 v19, $0x3;
	v14 =	vand.u32 $0x7F, v19;
	[tilespmem:s30+$0x0] =	vst v20;
	v28 =	vld.idx.msk [tilespmem:v10+s2+$0x0], $0xffff  }
0x57: {  	v10 =	vor.u32 $0x200, v17;
	v17 =	vld.idx.msk [tilespmem:v23+s2+$0x0], $0xffff;
	v12 =	vand.u32 $0xFFFFFC00, v12;
	v23 =	vor.u32 $0x280, v0;
	[tilespmem:s6+$0x0] =	vst v22;
	s6 =	sor.u32 s21, s3  }
0x58: {  	s31 =	simm.s32 $0x8;
	s7 =	sor.u32 s15, s4;
	v20 =	vld.idx.msk [tilespmem:v24+s2+$0x0], $0xffff;
	v12 =	vor.u32 v14, v12;
	[tilespmem:s6+$0x0] =	vst v18;
	v18 =	vshll.u32 v25, $0x3  }
0x59: {  	s29 =	sor.u32 s28, s5;
	s3 =	sor.u32 s19, s3;
	s6 =	sor.u32 $0x7000, s18;
	v19 =	vld.idx.msk [tilespmem:v15+s2+$0x0], $0xffff;
	v15 =	vand.u32 $0x7F, v25;
	v18 =	vand.u32 $0xFFFFFC00, v18  }
0x5a: {  	s12 =	sor.u32 s16, s11;
	s28 =	sor.u32 s15, s10;
	v22 =	vld.idx.msk [tilespmem:v27+s2+$0x0], $0xffff;
	s11 =	sor.u32 s17, s6;
	v14 =	vor.u32 v15, v18;
	[tilespmem:s3+$0x0] =	vst v26  }
0x5b: {  	s10 =	simm.s32 $0x500;
	v24 =	vor.u32 $0x180, v1;
	s30 =	sor.u32 s16, s6;
	v21 =	vor.u32 $0x80, v14;
	v15 =	vor.u32 $0x100, v14;
	[tilespmem:s11+$0x0] =	vst v28;
	s11 =	simm.s32 $0xA0;
	v18 =	vld.idx.msk [tilespmem:v29+s2+$0x0], $0xffff  }
.LBB2_2:
0x5c: {  	s31 =	sadd.s32 $0x2, s31;
	s3 =	sand.u32 $0x400, s10;
	v25 =	vor.u32 $0x180, v14;
	v26 =	vor.u32 $0x200, v14;
	v27 =	vor.u32 $0x280, v14;
	[tilespmem:s12+$0x0] =	vst v16;
	v16 =	vld.idx.msk [tilespmem:v23+s2+$0x0], $0xffff;
	s12 =	sor.u32 $0xA000, s23  }
0x5d: {  	v23 =	vor.u32 $0x300, v14;
	v28 =	vor.u32 $0x380, v14;
	s23 =	sor.u32 $0x5000, s20;
	s4 =	sshll.u32 s31, $0x4;
	v29 =	vld.idx.msk [tilespmem:v12+s2+$0x0], $0xffff;
	[tilespmem:s7+$0x0] =	vst v17;
	s5 =	sor.u32 s24, s12  }
0x5e: {  	v30 =	vor.u32 $0x300, v0;
	s7 =	sshll.u32 s31, $0x3;
	s24 =	sor.u32 s21, s23;
	s4 =	sand.u32 $0x800, s4;
	v17 =	vld.idx.msk [tilespmem:v11+s2+$0x0], $0xffff;
	[tilespmem:s5+$0x0] =	vst v19;
	v11 =	vmov v10;
	v10 =	vmov v26  }
0x5f: {  	s6 =	sand.u32 $0x60, s11;
	v19 =	vor.u32 $0x80, v12;
	s3 =	sor.u32 s3, s4;
	s4 =	sand.u32 $0x380, s7;
	v14 =	vld.idx.msk [tilespmem:v14+s2+$0x0], $0xffff;
	[tilespmem:s24+$0x0] =	vst v22  }
0x60: {  	s7 =	sor.u32 $0x8000, s18;
	s24 =	sor.u32 s4, s3;
	s3 =	sor.u32 $0x10, s6;
	v22 =	vld.idx.msk [tilespmem:v24+s2+$0x0], $0xffff;
	[tilespmem:s29+$0x0] =	vst v20  }
0x61: {  	s29 =	sor.u32 s17, s7;
	s5 =	sor.u32 s6, s24;
	s4 =	sor.u32 s3, s24;
	v20 =	vld.idx.msk [tilespmem:v9+s2+$0x0], $0xffff;
	v9 =	vmov v5;
	v5 =	vmov v6;
	v6 =	vmov v23  }
0x62: {  	s23 =	sor.u32 s19, s23;
	v24 =	vor.u32 $0x200, v1;
	s7 =	sor.u32 s16, s7;
	v23 =	vld [tilespmem:s4+$0x2000];
	[tilespmem:s29+$0x0] =	vst v16;
	s29 =	sor.u32 s15, s12  }
0x63: {  	p0 =	slt.u32 s31, $0xFE;
	s15 =	smov.u32 s16;
	s16 =	smov.u32 s19;
	[tilespmem:s1+$0x3000] =	vst v29;
	v26 =	vld.idx.msk [tilespmem:v30+s2+$0x0], $0xffff  }
0x64: {  	s19 =	smov.u32 s22;
	s22 =	smov.u32 s6;
	s1 =	sor.u32 $0x6000, s20;
	v19 =	vld.idx.msk [tilespmem:v19+s2+$0x0], $0xffff;
	[tilespmem:s23+$0x0] =	vst v18  }
0x65: {  	s12 =	sor.u32 s16, s1;
	s23 =	smov.u32 s18;
	v18 =	vld [tilespmem:s5+$0x2000];
	[tilespmem:s0+$0x3000] =	vst v14;
	s0 =	sor.u32 s21, s1;
	v14 =	vor.u32 $0x380, v0;
	v0 =	vmov v1;
	v1 =	vmov v12  }
0x66: {  	s18 =	smov.u32 s20;
	s20 =	smov.u32 s26;
	s26 =	smov.u32 s24;
	v21 =	vld.idx.msk [tilespmem:v21+s2+$0x0], $0xffff;
	v29 =	vor.u32 $0x100, v1;
	[tilespmem:s0+$0x0] =	vst v22  }
0x67: {  	s24 =	smov.u32 s17;
	s17 =	smov.u32 s21;
	s0 =	sor.u32 $0x9000, s23;
	v30 =	vld.idx.msk [tilespmem:v24+s2+$0x0], $0xffff;
	[tilespmem:s30+$0x0] =	vst v17  }
0x68: {  	s1 =	sor.u32 $0x4000, s20;
	v12 =	vshll.u32 v23, $0x3;
	s6 =	sor.u32 s24, s0;
	v16 =	vld.idx.msk [tilespmem:v13+s2+$0x0], $0xffff;
	[tilespmem:s28+$0x0] =	vst v20;
	s28 =	sor.u32 s15, s0;
	v13 =	vmov v25  }
.Ltmp0:
0x69: {  	s30 =	sor.u32 s19, s1;
	v20 =	vand.u32 $0x7F, v23;
	v12 =	vand.u32 $0xFFFFFC00, v12;
	s0 =	sor.u32 s25, s1;
	v23 =	vor.u32 $0x280, v0;
	v17 =	vld.idx.msk [tilespmem:v7+s2+$0x0], $0xffff;
	[tilespmem:s6+$0x0] =	vst v26;
	v7 =	vmovc v8;
	v8 =	vmovc v27;
	(pc) =	sbr.rel @p0 .LBB2_2-.Ltmp0, $4  }
0x6a: {  	s21 =	smov.u32 s25;
	s25 =	smov.u32 s3;
	v12 =	vor.u32 v20, v12;
	v24 =	vand.u32 $0x7F, v18;
	v18 =	vshll.u32 v18, $0x3;
	[tilespmem:s0+$0x0] =	vst v19;
	v19 =	vld.idx.msk [tilespmem:v14+s2+$0x0], $0xffff;
	s0 =	smov.u32 s5  }
0x6b: {  	s3 =	sor.u32 $0x7000, s18;
	s1 =	smov.u32 s4;
	v14 =	vand.u32 $0xFFFFFC00, v18;
	v22 =	vld.idx.msk [tilespmem:v29+s2+$0x0], $0xffff  }
0x6c: {  	v14 =	vor.u32 v24, v14;
	[tilespmem:s30+$0x0] =	vst v21;
	s30 =	sor.u32 s16, s3;
	s3 =	sor.u32 s17, s3;
	v20 =	vld.idx.msk [tilespmem:v2+s2+$0x0], $0xffff;
	v2 =	vmovc v3;
	v3 =	vmov v4;
	v4 =	vmov v28  }
0x6d: {  	s10 =	sadd.s32 $0x100, s10;
	s11 =	sadd.s32 $0x20, s11;
	v24 =	vor.u32 $0x180, v1;
	v21 =	vor.u32 $0x80, v14;
	v18 =	vld.idx.msk [tilespmem:v15+s2+$0x0], $0xffff;
	v15 =	vor.u32 $0x100, v14;
	[tilespmem:s3+$0x0] =	vst v30  }
0x6e: {  	_ =	sdelay $0x3  }
0x6f: {  	v25 =	vld.idx.msk [tilespmem:v12+s2+$0x0], $0xffff  }
0x70: {  	v26 =	vor.u32 $0x80, v12;
	v27 =	vld.idx.msk [tilespmem:v14+s2+$0x0], $0xffff;
	_ =	sdelay $0x3  }
0x71: {  	[tilespmem:s1+$0x3000] =	vst v25  }
0x72: {  	[tilespmem:s0+$0x3000] =	vst v27;
	v25 =	vld.idx.msk [tilespmem:v26+s2+$0x0], $0xffff  }
0x73: {  	v31 =	vor.u32 $0x100, v12;
	v21 =	vld.idx.msk [tilespmem:v21+s2+$0x0], $0xffff;
	_ =	sdelay $0x1  }
0x74: {  	s4 =	sor.u32 $0x4000, s26  }
0x75: {  	[tilespmem:s12+$0x0] =	vst v16;
	s5 =	sor.u32 s25, s4  }
0x76: {  	s0 =	sor.u32 s22, s4;
	[tilespmem:s5+$0x0] =	vst v25  }
0x77: {  	s6 =	sor.u32 $0x5000, s20;
	[tilespmem:s0+$0x0] =	vst v21;
	v32 =	vld.idx.msk [tilespmem:v31+s2+$0x0], $0xffff  }
0x78: {  	v33 =	vor.u32 $0x180, v12;
	[tilespmem:s7+$0x0] =	vst v17;
	s3 =	sor.u32 s21, s6;
	v15 =	vld.idx.msk [tilespmem:v15+s2+$0x0], $0xffff  }
0x79: {  	v34 =	vor.u32 $0x180, v14;
	v11 =	vld.idx.msk [tilespmem:v11+s2+$0x0], $0xffff;
	[tilespmem:s3+$0x0] =	vst v22  }
0x7a: {  	s10 =	sor.u32 $0x5000, s26;
	[tilespmem:s29+$0x0] =	vst v20;
	s1 =	sor.u32 s19, s6  }
0x7b: {  	s11 =	sor.u32 s25, s10;
	v35 =	vld.idx.msk [tilespmem:v24+s2+$0x0], $0xffff;
	[tilespmem:s1+$0x0] =	vst v18  }
0x7c: {  	v37 =	vor.u32 $0x200, v1;
	s12 =	sor.u32 s22, s10;
	v13 =	vld.idx.msk [tilespmem:v13+s2+$0x0], $0xffff;
	[tilespmem:s11+$0x0] =	vst v32  }
0x7d: {  	s0 =	sor.u32 $0xA000, s23;
	[tilespmem:s12+$0x0] =	vst v15;
	v16 =	vld.idx.msk [tilespmem:v33+s2+$0x0], $0xffff  }
0x7e: {  	v38 =	vor.u32 $0x200, v12;
	[tilespmem:s30+$0x0] =	vst v11;
	s23 =	sor.u32 $0x6000, s20;
	s4 =	sor.u32 s24, s0;
	v15 =	vld.idx.msk [tilespmem:v34+s2+$0x0], $0xffff  }
0x7f: {  	v36 =	vld.idx.msk [tilespmem:v23+s2+$0x0], $0xffff;
	v39 =	vor.u32 $0x200, v14;
	s24 =	sor.u32 s21, s23;
	[tilespmem:s4+$0x0] =	vst v19  }
0x80: {  	v9 =	vld.idx.msk [tilespmem:v9+s2+$0x0], $0xffff;
	s29 =	sor.u32 $0x6000, s26;
	s3 =	sor.u32 s19, s23;
	[tilespmem:s24+$0x0] =	vst v35  }
0x81: {  	s31 =	sor.u32 s25, s29;
	[tilespmem:s3+$0x0] =	vst v13;
	v41 =	vld.idx.msk [tilespmem:v37+s2+$0x0], $0xffff  }
0x82: {  	v42 =	vor.u32 $0x280, v1;
	s1 =	sor.u32 $0x8000, s18;
	s4 =	sor.u32 s22, s29;
	v10 =	vld.idx.msk [tilespmem:v10+s2+$0x0], $0xffff;
	[tilespmem:s31+$0x0] =	vst v16  }
0x83: {  	s5 =	sor.u32 s17, s1;
	[tilespmem:s4+$0x0] =	vst v15;
	v43 =	vld.idx.msk [tilespmem:v38+s2+$0x0], $0xffff  }
0x84: {  	v44 =	vor.u32 $0x280, v12;
	[tilespmem:s5+$0x0] =	vst v36;
	s5 =	sor.u32 $0x7000, s20;
	v45 =	vld.idx.msk [tilespmem:v39+s2+$0x0], $0xffff  }
0x85: {  	v46 =	vor.u32 $0x280, v14;
	[tilespmem:s28+$0x0] =	vst v9;
	v7 =	vld.idx.msk [tilespmem:v7+s2+$0x0], $0xffff;
	s6 =	sor.u32 s21, s5  }
0x86: {  	v40 =	vor.u32 $0x300, v0;
	s7 =	sor.u32 $0x7000, s26;
	v2 =	vld.idx.msk [tilespmem:v2+s2+$0x0], $0xffff;
	s3 =	sor.u32 s19, s5;
	[tilespmem:s6+$0x0] =	vst v41  }
0x87: {  	s10 =	sor.u32 s25, s7;
	[tilespmem:s3+$0x0] =	vst v10;
	v49 =	vld.idx.msk [tilespmem:v42+s2+$0x0], $0xffff  }
0x88: {  	v50 =	vor.u32 $0x300, v1;
	s11 =	sor.u32 s22, s7;
	v8 =	vld.idx.msk [tilespmem:v8+s2+$0x0], $0xffff;
	[tilespmem:s10+$0x0] =	vst v43  }
0x89: {  	s1 =	sor.u32 s16, s1;
	[tilespmem:s11+$0x0] =	vst v45;
	v51 =	vld.idx.msk [tilespmem:v44+s2+$0x0], $0xffff  }
0x8a: {  	v52 =	vor.u32 $0x300, v12;
	s23 =	sor.u32 $0x8000, s20;
	[tilespmem:s1+$0x0] =	vst v7;
	s0 =	sor.u32 s15, s0;
	v53 =	vld.idx.msk [tilespmem:v46+s2+$0x0], $0xffff  }
0x8b: {  	v54 =	vor.u32 $0x300, v14;
	v47 =	vld.idx.msk [tilespmem:v40+s2+$0x0], $0xffff;
	s24 =	sor.u32 s21, s23;
	[tilespmem:s0+$0x0] =	vst v2  }
0x8c: {  	v48 =	vor.u32 $0x380, v0;
	s28 =	sor.u32 $0x8000, s26;
	v5 =	vld.idx.msk [tilespmem:v5+s2+$0x0], $0xffff;
	s30 =	sor.u32 s19, s23;
	[tilespmem:s24+$0x0] =	vst v49  }
0x8d: {  	s29 =	sor.u32 s25, s28;
	[tilespmem:s30+$0x0] =	vst v8;
	v55 =	vld.idx.msk [tilespmem:v50+s2+$0x0], $0xffff  }
0x8e: {  	v56 =	vor.u32 $0x380, v1;
	s5 =	sor.u32 $0x9000, s18;
	s6 =	sor.u32 s22, s28;
	v6 =	vld.idx.msk [tilespmem:v6+s2+$0x0], $0xffff;
	[tilespmem:s29+$0x0] =	vst v51  }
0x8f: {  	s12 =	sor.u32 s17, s5;
	[tilespmem:s6+$0x0] =	vst v53;
	v57 =	vld.idx.msk [tilespmem:v52+s2+$0x0], $0xffff  }
0x90: {  	v58 =	vor.u32 $0x380, v12;
	s5 =	sor.u32 s16, s5;
	[tilespmem:s12+$0x0] =	vst v47;
	s10 =	sor.u32 $0x9000, s20;
	v59 =	vld.idx.msk [tilespmem:v54+s2+$0x0], $0xffff  }
0x91: {  	v60 =	vor.u32 $0x380, v14;
	[tilespmem:s5+$0x0] =	vst v5;
	v0 =	vld.idx.msk [tilespmem:v48+s2+$0x0], $0xffff;
	s11 =	sor.u32 s21, s10  }
0x92: {  	s12 =	sor.u32 $0x9000, s26;
	v3 =	vld.idx.msk [tilespmem:v3+s2+$0x0], $0xffff;
	s31 =	sor.u32 $0xA000, s18;
	s3 =	sor.u32 s19, s10;
	[tilespmem:s11+$0x0] =	vst v55  }
0x93: {  	s7 =	sor.u32 s17, s31;
	s17 =	sor.u32 s25, s12;
	[tilespmem:s3+$0x0] =	vst v6;
	v1 =	vld.idx.msk [tilespmem:v56+s2+$0x0], $0xffff  }
0x94: {  	s18 =	sor.u32 s22, s12;
	v62 =	vld.idx.msk [tilespmem:v4+s2+$0x0], $0xffff;
	[tilespmem:s17+$0x0] =	vst v57  }
0x95: {  	[tilespmem:s18+$0x0] =	vst v59;
	v61 =	vld.idx.msk [tilespmem:v58+s2+$0x0], $0xffff  }
0x96: {  	s1 =	sor.u32 s16, s31;
	[tilespmem:s7+$0x0] =	vst v0;
	s20 =	sor.u32 $0xA000, s20;
	v63 =	vld.idx.msk [tilespmem:v60+s2+$0x0], $0xffff  }
0x97: {  	[tilespmem:s1+$0x0] =	vst v3;
	s23 =	sor.u32 s21, s20  }
0x98: {  	s24 =	sor.u32 $0xA000, s26;
	s3 =	sor.u32 s19, s20;
	[tilespmem:s23+$0x0] =	vst v1  }
0x99: {  	s26 =	sor.u32 s25, s24;
	[tilespmem:s3+$0x0] =	vst v62  }
0x9a: {  	s0 =	sor.u32 s22, s24;
	[tilespmem:s26+$0x0] =	vst v61  }
0x9b: {  	s28 =	simm.s32 $0x1000;
	[tilespmem:s0+$0x0] =	vst v63  }
0x9c: {  	s30 =	simm.s32 $0x3000;
	s29 =	simm.s32 $0x10000;
	s0 =	rddreg [dreg:$0x6]  }
0x9d: {  	[hbm4b:s0+s28] =	stream.strided.scatter [tilespmem:s30], [sflag:$0x3], $0x8000, s29, s28, $0x38;
	[tilespmem:$0xB000] =	vst v63  }
0x9e: {  	_ =	swait.ge [sflag:s13], $0x8000  }
0x9f: {  	s14 =	sadd.s32 $0x1, s14;
	s31 =	rddreg [dreg:$0x7]  }
0xa0: {  	p0 =	sne.s32 s14, s31  }
.Ltmp1:
0xa1: {  	_ = 	snop;
	(pc) =	sbr.rel @p0 .LBB2_1-.Ltmp1, $3  }
0xa2: {  	_ =	sdelay $0x1  }
0xa3: {  	[sflag:s13] =	ssyncset.done $0x0  }
0xa4: {  	[sflag:s13] =	ssyncadd.s32 $0xFFFF8000  }
0xa5: {  	_ =	sfence.sel $0x180000  }
0xa6: {  	[bflag:$0x0] =	sbarrier.arrive $0xFFFF  }
0xa7: {  	_ =	strace $0x90000047  }
0xa8: {  	s0 =	stileid.u32;
	[bflag:$0x2] =	sbarrier.arrive $0xFFFF  }
0xa9: {  	p0 =	sne.s32 s0, $0x0;
	s0 =	rddreg [dreg:$0x3]  }
0xaa: {  	s0 =	sadd.s32 @!p0 $0x100000, s0  }
0xab: {  	[sflag:s0] =	ssyncadd.tile.s32 @!p0 $0x1;
	_ =	shalt  }
.Lfunc_end2:
_tile_overlayer_lowered:
.L_overlay_start_2:
0xac: {  	(tag) =	ssettag $0x2  }
0xad: {  	s0 =	rddreg [dreg:$0x0];
	s2 =	stileid.u32  }
0xae: {  	s1 =	rddreg [dreg:$0x1];
	p0 =	sne.s32 s2, $0x0  }
0xaf: {  	s3 =	rddreg [dreg:$0x2];
	[bflag:$0x3] =	sbarrier.arrive $0xFFFF;
	s2 =	simm.s32 @!p0 $0x1C03  }
0xb0: {  	[timem:s3], [sflag:s2] =	dma.local @!p0 [hbm:s0], s1  }
0xb1: {  	s0 =	simm.s32 @!p0 $0x3  }
0xb2: {  	_ =	swait.ge @!p0 [sflag:s0], s1  }
0xb3: {  	s1 =	ssub.s32 @!p0 $0x0, s1;
	[sflag:s0] =	ssyncset.done @!p0 $0x0  }
0xb4: {  	[sflag:s0] =	ssyncadd.s32 @!p0 s1  }
0xb5: {  	[bflag:$0x3] =	sbarrier.arrive $0xFFFF  }
0xb6: {  	_ =	shalt  }

</sc_bundles>
